<compile_context>
chip_gen: v7x
topology: tpu7x:2x2x1
jax: 0.10.2.dev20260603
libtpu: 0.0.44.dev20260713+nightly
codegen_flags: <defaults>
</compile_context>

<pallas_src>
import functools

import jax
import jax.numpy as jnp
from jax import lax
from jax.experimental import pallas as pl
from jax.experimental.pallas import tpu as pltpu
from jax.experimental.pallas import tpu_sc as plsc

R, C = 64, 8192
NS, L = 16, 16
SC_ROWS = 16
TC_ROWS = R - SC_ROWS
TB = 8
NTB = TC_ROWS // TB
NCHUNK = 2
CHUNK = C // NCHUNK
NBLK = CHUNK // L
U = 4
INT_MAX = 2**31 - 1

_sc_mesh = plsc.VectorSubcoreMesh(
    core_axis_name="c", subcore_axis_name="s", num_cores=1
)


@functools.partial(
    pl.kernel,
    out_type=[
        jax.ShapeDtypeStruct((NS, L), jnp.float32),
        jax.ShapeDtypeStruct((NS, L), jnp.int32),
    ],
    mesh=_sc_mesh,
    scratch_types=[
        pltpu.VMEM((C,), jnp.float32),
        pltpu.VMEM((L,), jnp.float32),
        pltpu.VMEM((L,), jnp.int32),
        [pltpu.SemaphoreType.DMA] * NCHUNK,
    ],
)
def _sc_part_argmin(a_hbm, vals_out, idxs_out, buf, vmin_ref, vidx_ref, sems):
    s = lax.axis_index("s")
    base = s * C

    copies = [
        pltpu.async_copy(
            a_hbm.at[s, pl.ds(k * CHUNK, CHUNK)],
            buf.at[pl.ds(k * CHUNK, CHUNK)],
            sems[k],
        )
        for k in range(NCHUNK)
    ]

    lane = lax.iota(jnp.int32, L)
    inf = jnp.float32(jnp.inf)
    vmins = [jnp.full((L,), inf, jnp.float32) for _ in range(U)]
    vidxs = [jnp.zeros((L,), jnp.int32) for _ in range(U)]

    for k in range(NCHUNK):
        copies[k].wait()
        cbase = k * CHUNK

        init = tuple(vmins) + tuple(
            base + cbase + u * L + lane for u in range(U)
        ) + tuple(vidxs)

        @plsc.parallel_loop(0, NBLK // U, carry=init, unroll=2)
        def body(i, carry):
            vm = list(carry[:U])
            cur = list(carry[U : 2 * U])
            vi = list(carry[2 * U :])
            for u in range(U):
                v = buf[pl.ds(cbase + (i * U + u) * L, L)]
                upd = v < vm[u]
                vm[u] = jnp.where(upd, v, vm[u])
                vi[u] = jnp.where(upd, cur[u], vi[u])
                cur[u] = cur[u] + U * L
            return tuple(vm) + tuple(cur) + tuple(vi)

        out_carry = body
        vmins = list(out_carry[:U])
        vidxs = list(out_carry[2 * U :])

    vmin, vidx = vmins[0], vidxs[0]
    for u in range(1, U):
        upd = (vmins[u] < vmin) | ((vmins[u] == vmin) & (vidxs[u] < vidx))
        vmin = jnp.where(upd, vmins[u], vmin)
        vidx = jnp.where(upd, vidxs[u], vidx)

    vmin_ref[...] = vmin
    vidx_ref[...] = vidx
    pltpu.sync_copy(vmin_ref, vals_out.at[s])
    pltpu.sync_copy(vidx_ref, idxs_out.at[s])


def _tc_scan_body(a_ref, val_ref, idx_ref, mcar, icar):
    i = pl.program_id(0)
    v = a_ref[...]
    m = jnp.min(v)
    row = lax.broadcasted_iota(jnp.int32, (TB, C), 0)
    col = lax.broadcasted_iota(jnp.int32, (TB, C), 1)
    flat = (row + SC_ROWS + i * TB) * C + col
    mi = jnp.min(jnp.where(v == m, flat, INT_MAX))

    @pl.when(i == 0)
    def _():
        mcar[0] = jnp.float32(jnp.inf)
        icar[0] = jnp.int32(INT_MAX)

    upd = m < mcar[0]
    mcar[0] = jnp.where(upd, m, mcar[0])
    icar[0] = jnp.where(upd, mi, icar[0])

    @pl.when(i == NTB - 1)
    def _():
        val_ref[...] = jnp.full((1, 128), mcar[0], jnp.float32)
        idx_ref[...] = jnp.full((1, 128), icar[0], jnp.int32)


_tc_scan = pl.pallas_call(
    _tc_scan_body,
    grid=(NTB,),
    in_specs=[pl.BlockSpec((TB, C), lambda i: (i + SC_ROWS // TB, 0))],
    out_shape=[
        jax.ShapeDtypeStruct((1, 128), jnp.float32),
        jax.ShapeDtypeStruct((1, 128), jnp.int32),
    ],
    out_specs=[
        pl.BlockSpec((1, 128), lambda i: (0, 0)),
        pl.BlockSpec((1, 128), lambda i: (0, 0)),
    ],
    scratch_shapes=[
        pltpu.SMEM((1,), jnp.float32),
        pltpu.SMEM((1,), jnp.int32),
    ],
)


def _merge_body(vals_ref, idxs_ref, tcv_ref, tci_ref, out_ref):
    vals = vals_ref[...]
    idxs = idxs_ref[...]
    tcv = tcv_ref[...]
    tci = tci_ref[...]
    m = jnp.minimum(jnp.min(vals), jnp.min(tcv))
    sc_best = jnp.min(jnp.where(vals == m, idxs, INT_MAX))
    tc_best = jnp.min(jnp.where(tcv == m, tci, INT_MAX))
    out_ref[0, 0] = jnp.minimum(sc_best, tc_best)


_merge = pl.pallas_call(
    _merge_body,
    out_shape=jax.ShapeDtypeStruct((1, 1), jnp.int32),
    out_specs=pl.BlockSpec(memory_space=pltpu.SMEM),
)


def kernel(a):
    vals, idxs = _sc_part_argmin(a)
    tcv, tci = _tc_scan(a)
    out = _merge(vals, idxs, tcv, tci)
    return out[0, 0].astype(jnp.int64)

# --- scband reference (transcript-rebuilt; emitter-appended) ---
"""Pipeline reference for scband-argmin-module-29841432773135 (READ-ONLY COPY).

The authoritative reference and input builder live on the scoring server;
editing this copy changes nothing except your own understanding.
"""

import jax, jax.numpy as jnp
import numpy as np


def setup_inputs(seed: int = 0) -> dict:
    key = jax.random.key(seed)
    a = jax.random.normal(key, (64, 8192), dtype=jnp.float32)
    return {"a": a}


def reference(a):
    # torch.ops.aten.argmin(a) with no dim flattens the tensor and returns
    # the index of the global minimum as a scalar int64.
    return jnp.argmin(a.reshape(-1)).astype(jnp.int64)

if __name__ == "__main__":
    import jax
    _d = setup_inputs()
    print(jax.jit(kernel)(*tuple(_d.values())))

</pallas_src>

<mosaic_0001>
#map = affine_map<(d0, d1) -> (0, 0)>
module attributes {stable_mosaic.version = 14 : i64} {
  func.func @_sc_part_argmin(%arg0: i32, %arg1: i32, %arg2: memref<64x8192xf32, #tpu.memory_space<hbm>>, %arg3: memref<16x16xf32, #tpu.memory_space<hbm>>, %arg4: memref<16x16xi32, #tpu.memory_space<hbm>>, %arg5: memref<8192xf32, #tpu.memory_space<vmem>>, %arg6: memref<16xf32, #tpu.memory_space<vmem>>, %arg7: memref<16xi32, #tpu.memory_space<vmem>>, %arg8: memref<!tpu.dma_semaphore, #tpu.memory_space<semaphore_mem>>, %arg9: memref<!tpu.dma_semaphore, #tpu.memory_space<semaphore_mem>>) attributes {dimension_semantics = [#tpu.dimension_semantics<core_parallel>, #tpu.dimension_semantics<subcore_parallel>], iteration_bounds = array<i64: 1, 16>, scalar_prefetch = 0 : i64, scratch_operands = 5 : i64, tpu.core_type = #tpu.core_type<sc_vector_subcore>, window_params = [{transform_indices = #map}, {transform_indices = #map}, {transform_indices = #map}]} {
    %mul3A = arith.constant 8192 : i32
    %mul3A_0 = arith.muli %arg1, %mul3A : i32
    %dma_start3A = arith.constant 0 : i32
    %dma_start3A_1 = tpu.memref_slice %arg5[%dma_start3A] : memref<8192xf32, #tpu.memory_space<vmem>> -> memref<4096xf32, #tpu.memory_space<vmem>>
    %dma_start3A_2 = arith.constant 0 : i32
    %dma_start3A_3 = tpu.memref_slice %arg2[%arg1, %dma_start3A_2] : memref<64x8192xf32, #tpu.memory_space<hbm>> -> memref<1x4096xf32, #tpu.memory_space<hbm>>
    %dma_start3A_4 = tpu.memref_squeeze %dma_start3A_3 : memref<1x4096xf32, #tpu.memory_space<hbm>> -> memref<4096xf32, #tpu.memory_space<hbm>>
    %dma_start3A_5 = arith.constant 0 : i32
    %dma_start3A_6 = tpu.memref_slice %arg5[%dma_start3A_5] : memref<8192xf32, #tpu.memory_space<vmem>> -> memref<4096xf32, #tpu.memory_space<vmem>>
    %dma_start3A_7 = arith.constant 0 : i32
    %dma_start3A_8 = tpu.memref_slice %arg2[%arg1, %dma_start3A_7] : memref<64x8192xf32, #tpu.memory_space<hbm>> -> memref<1x4096xf32, #tpu.memory_space<hbm>>
    %dma_start3A_9 = tpu.memref_squeeze %dma_start3A_8 : memref<1x4096xf32, #tpu.memory_space<hbm>> -> memref<4096xf32, #tpu.memory_space<hbm>>
    tpu.enqueue_dma source(%dma_start3A_9 : memref<4096xf32, #tpu.memory_space<hbm>>) target(%dma_start3A_6 : memref<4096xf32, #tpu.memory_space<vmem>>) target_semaphore(%arg8 : memref<!tpu.dma_semaphore, #tpu.memory_space<semaphore_mem>>)
    %dma_start3A_10 = arith.constant 4096 : i32
    %dma_start3A_11 = tpu.memref_slice %arg5[%dma_start3A_10] : memref<8192xf32, #tpu.memory_space<vmem>> -> memref<4096xf32, #tpu.memory_space<vmem>>
    %dma_start3A_12 = arith.constant 4096 : i32
    %dma_start3A_13 = tpu.memref_slice %arg2[%arg1, %dma_start3A_12] : memref<64x8192xf32, #tpu.memory_space<hbm>> -> memref<1x4096xf32, #tpu.memory_space<hbm>>
    %dma_start3A_14 = tpu.memref_squeeze %dma_start3A_13 : memref<1x4096xf32, #tpu.memory_space<hbm>> -> memref<4096xf32, #tpu.memory_space<hbm>>
    %dma_start3A_15 = arith.constant 4096 : i32
    %dma_start3A_16 = tpu.memref_slice %arg5[%dma_start3A_15] : memref<8192xf32, #tpu.memory_space<vmem>> -> memref<4096xf32, #tpu.memory_space<vmem>>
    %dma_start3A_17 = arith.constant 4096 : i32
    %dma_start3A_18 = tpu.memref_slice %arg2[%arg1, %dma_start3A_17] : memref<64x8192xf32, #tpu.memory_space<hbm>> -> memref<1x4096xf32, #tpu.memory_space<hbm>>
    %dma_start3A_19 = tpu.memref_squeeze %dma_start3A_18 : memref<1x4096xf32, #tpu.memory_space<hbm>> -> memref<4096xf32, #tpu.memory_space<hbm>>
    tpu.enqueue_dma source(%dma_start3A_19 : memref<4096xf32, #tpu.memory_space<hbm>>) target(%dma_start3A_16 : memref<4096xf32, #tpu.memory_space<vmem>>) target_semaphore(%arg9 : memref<!tpu.dma_semaphore, #tpu.memory_space<semaphore_mem>>)
    %iota3A = tpu.iota {dimensions = array<i32: 0>} : vector<16xi32>
    %broadcast_in_dim3A = arith.constant 0x7F800000 : f32
    %broadcast_in_dim3A_20 = vector.broadcast %broadcast_in_dim3A : f32 to vector<16xf32>
    %broadcast_in_dim3A_21 = arith.constant 0x7F800000 : f32
    %broadcast_in_dim3A_22 = vector.broadcast %broadcast_in_dim3A_21 : f32 to vector<16xf32>
    %broadcast_in_dim3A_23 = arith.constant 0x7F800000 : f32
    %broadcast_in_dim3A_24 = vector.broadcast %broadcast_in_dim3A_23 : f32 to vector<16xf32>
    %broadcast_in_dim3A_25 = arith.constant 0x7F800000 : f32
    %broadcast_in_dim3A_26 = vector.broadcast %broadcast_in_dim3A_25 : f32 to vector<16xf32>
    %broadcast_in_dim3A_27 = arith.constant 0 : i32
    %broadcast_in_dim3A_28 = vector.broadcast %broadcast_in_dim3A_27 : i32 to vector<16xi32>
    %broadcast_in_dim3A_29 = arith.constant 0 : i32
    %broadcast_in_dim3A_30 = vector.broadcast %broadcast_in_dim3A_29 : i32 to vector<16xi32>
    %broadcast_in_dim3A_31 = arith.constant 0 : i32
    %broadcast_in_dim3A_32 = vector.broadcast %broadcast_in_dim3A_31 : i32 to vector<16xi32>
    %broadcast_in_dim3A_33 = arith.constant 0 : i32
    %broadcast_in_dim3A_34 = vector.broadcast %broadcast_in_dim3A_33 : i32 to vector<16xi32>
    %dma_wait3A = arith.constant 0 : i32
    %dma_wait3A_35 = tpu.memref_slice %arg5[%dma_wait3A] : memref<8192xf32, #tpu.memory_space<vmem>> -> memref<4096xf32, #tpu.memory_space<vmem>>
    %dma_wait3A_36 = arith.constant 0 : i32
    %dma_wait3A_37 = tpu.memref_slice %arg2[%arg1, %dma_wait3A_36] : memref<64x8192xf32, #tpu.memory_space<hbm>> -> memref<1x4096xf32, #tpu.memory_space<hbm>>
    %dma_wait3A_38 = tpu.memref_squeeze %dma_wait3A_37 : memref<1x4096xf32, #tpu.memory_space<hbm>> -> memref<4096xf32, #tpu.memory_space<hbm>>
    %dma_wait3A_39 = arith.constant 0 : i32
    %dma_wait3A_40 = tpu.memref_slice %arg5[%dma_wait3A_39] : memref<8192xf32, #tpu.memory_space<vmem>> -> memref<4096xf32, #tpu.memory_space<vmem>>
    %dma_wait3A_41 = arith.constant 0 : i32
    %dma_wait3A_42 = tpu.memref_slice %arg2[%arg1, %dma_wait3A_41] : memref<64x8192xf32, #tpu.memory_space<hbm>> -> memref<1x4096xf32, #tpu.memory_space<hbm>>
    %dma_wait3A_43 = tpu.memref_squeeze %dma_wait3A_42 : memref<1x4096xf32, #tpu.memory_space<hbm>> -> memref<4096xf32, #tpu.memory_space<hbm>>
    tpu.wait_dma2 semaphore(%arg8 : memref<!tpu.dma_semaphore, #tpu.memory_space<semaphore_mem>>) src(%dma_wait3A_43 : memref<4096xf32, #tpu.memory_space<hbm>>) dst(%dma_wait3A_40 : memref<4096xf32, #tpu.memory_space<vmem>>)
    %add3A = arith.constant 0 : i32
    %add3A_44 = arith.addi %mul3A_0, %add3A : i32
    %add3A_45 = arith.constant 0 : i32
    %add3A_46 = arith.addi %add3A_44, %add3A_45 : i32
    %add3A_47 = vector.broadcast %add3A_46 : i32 to vector<16xi32>
    %add3A_48 = arith.addi %add3A_47, %iota3A : vector<16xi32>
    %add3A_49 = arith.constant 0 : i32
    %add3A_50 = arith.addi %mul3A_0, %add3A_49 : i32
    %add3A_51 = arith.constant 16 : i32
    %add3A_52 = arith.addi %add3A_50, %add3A_51 : i32
    %add3A_53 = vector.broadcast %add3A_52 : i32 to vector<16xi32>
    %add3A_54 = arith.addi %add3A_53, %iota3A : vector<16xi32>
    %add3A_55 = arith.constant 0 : i32
    %add3A_56 = arith.addi %mul3A_0, %add3A_55 : i32
    %add3A_57 = arith.constant 32 : i32
    %add3A_58 = arith.addi %add3A_56, %add3A_57 : i32
    %add3A_59 = vector.broadcast %add3A_58 : i32 to vector<16xi32>
    %add3A_60 = arith.addi %add3A_59, %iota3A : vector<16xi32>
    %add3A_61 = arith.constant 0 : i32
    %add3A_62 = arith.addi %mul3A_0, %add3A_61 : i32
    %add3A_63 = arith.constant 48 : i32
    %add3A_64 = arith.addi %add3A_62, %add3A_63 : i32
    %add3A_65 = vector.broadcast %add3A_64 : i32 to vector<16xi32>
    %add3A_66 = arith.addi %add3A_65, %iota3A : vector<16xi32>
    %parallel_loop3A = arith.constant 0 : i32
    %parallel_loop3A_67 = arith.constant 64 : i32
    %parallel_loop3A_68 = arith.constant 1 : i32
    %parallel_loop3A_69:12 = scf.for %parallel_loop3A_131 = %parallel_loop3A to %parallel_loop3A_67 step %parallel_loop3A_68 iter_args(%parallel_loop3A_132 = %broadcast_in_dim3A_20, %parallel_loop3A_133 = %broadcast_in_dim3A_22, %parallel_loop3A_134 = %broadcast_in_dim3A_24, %parallel_loop3A_135 = %broadcast_in_dim3A_26, %parallel_loop3A_136 = %add3A_48, %parallel_loop3A_137 = %add3A_54, %parallel_loop3A_138 = %add3A_60, %parallel_loop3A_139 = %add3A_66, %parallel_loop3A_140 = %broadcast_in_dim3A_28, %parallel_loop3A_141 = %broadcast_in_dim3A_30, %parallel_loop3A_142 = %broadcast_in_dim3A_32, %parallel_loop3A_143 = %broadcast_in_dim3A_34) -> (vector<16xf32>, vector<16xf32>, vector<16xf32>, vector<16xf32>, vector<16xi32>, vector<16xi32>, vector<16xi32>, vector<16xi32>, vector<16xi32>, vector<16xi32>, vector<16xi32>, vector<16xi32>)  : i32 {
      %parallel_loop3A_144 = arith.constant 4 : i32
      %parallel_loop3A_145 = arith.muli %parallel_loop3A_131, %parallel_loop3A_144 : i32
      %parallel_loop3A_146 = arith.constant 0 : i32
      %parallel_loop3A_147 = arith.addi %parallel_loop3A_145, %parallel_loop3A_146 : i32
      %parallel_loop3A_148 = arith.constant 16 : i32
      %parallel_loop3A_149 = arith.muli %parallel_loop3A_147, %parallel_loop3A_148 : i32
      %parallel_loop3A_150 = arith.constant 0 : i32
      %parallel_loop3A_151 = arith.addi %parallel_loop3A_150, %parallel_loop3A_149 : i32
      %parallel_loop3A_152 = arith.index_cast %parallel_loop3A_151 : i32 to index
      %parallel_loop3A_153 = tpu.vector_load %arg5[%parallel_loop3A_152] {strides = array<i32>} : memref<8192xf32, #tpu.memory_space<vmem>>, vector<16xf32>,
      %parallel_loop3A_154 = vector.shape_cast %parallel_loop3A_153 : vector<16xf32> to vector<16xf32>
      %parallel_loop3A_155 = arith.cmpf olt, %parallel_loop3A_154, %parallel_loop3A_132 : vector<16xf32>
      %parallel_loop3A_156 = arith.select %parallel_loop3A_155, %parallel_loop3A_154, %parallel_loop3A_132 : vector<16xi1>, vector<16xf32>
      %parallel_loop3A_157 = arith.select %parallel_loop3A_155, %parallel_loop3A_136, %parallel_loop3A_140 : vector<16xi1>, vector<16xi32>
      %parallel_loop3A_158 = arith.constant 64 : i32
      %parallel_loop3A_159 = vector.broadcast %parallel_loop3A_158 : i32 to vector<16xi32>
      %parallel_loop3A_160 = arith.addi %parallel_loop3A_136, %parallel_loop3A_159 : vector<16xi32>
      %parallel_loop3A_161 = arith.constant 4 : i32
      %parallel_loop3A_162 = arith.muli %parallel_loop3A_131, %parallel_loop3A_161 : i32
      %parallel_loop3A_163 = arith.constant 1 : i32
      %parallel_loop3A_164 = arith.addi %parallel_loop3A_162, %parallel_loop3A_163 : i32
      %parallel_loop3A_165 = arith.constant 16 : i32
      %parallel_loop3A_166 = arith.muli %parallel_loop3A_164, %parallel_loop3A_165 : i32
      %parallel_loop3A_167 = arith.constant 0 : i32
      %parallel_loop3A_168 = arith.addi %parallel_loop3A_167, %parallel_loop3A_166 : i32
      %parallel_loop3A_169 = arith.index_cast %parallel_loop3A_168 : i32 to index
      %parallel_loop3A_170 = tpu.vector_load %arg5[%parallel_loop3A_169] {strides = array<i32>} : memref<8192xf32, #tpu.memory_space<vmem>>, vector<16xf32>,
      %parallel_loop3A_171 = vector.shape_cast %parallel_loop3A_170 : vector<16xf32> to vector<16xf32>
      %parallel_loop3A_172 = arith.cmpf olt, %parallel_loop3A_171, %parallel_loop3A_133 : vector<16xf32>
      %parallel_loop3A_173 = arith.select %parallel_loop3A_172, %parallel_loop3A_171, %parallel_loop3A_133 : vector<16xi1>, vector<16xf32>
      %parallel_loop3A_174 = arith.select %parallel_loop3A_172, %parallel_loop3A_137, %parallel_loop3A_141 : vector<16xi1>, vector<16xi32>
      %parallel_loop3A_175 = arith.constant 64 : i32
      %parallel_loop3A_176 = vector.broadcast %parallel_loop3A_175 : i32 to vector<16xi32>
      %parallel_loop3A_177 = arith.addi %parallel_loop3A_137, %parallel_loop3A_176 : vector<16xi32>
      %parallel_loop3A_178 = arith.constant 4 : i32
      %parallel_loop3A_179 = arith.muli %parallel_loop3A_131, %parallel_loop3A_178 : i32
      %parallel_loop3A_180 = arith.constant 2 : i32
      %parallel_loop3A_181 = arith.addi %parallel_loop3A_179, %parallel_loop3A_180 : i32
      %parallel_loop3A_182 = arith.constant 16 : i32
      %parallel_loop3A_183 = arith.muli %parallel_loop3A_181, %parallel_loop3A_182 : i32
      %parallel_loop3A_184 = arith.constant 0 : i32
      %parallel_loop3A_185 = arith.addi %parallel_loop3A_184, %parallel_loop3A_183 : i32
      %parallel_loop3A_186 = arith.index_cast %parallel_loop3A_185 : i32 to index
      %parallel_loop3A_187 = tpu.vector_load %arg5[%parallel_loop3A_186] {strides = array<i32>} : memref<8192xf32, #tpu.memory_space<vmem>>, vector<16xf32>,
      %parallel_loop3A_188 = vector.shape_cast %parallel_loop3A_187 : vector<16xf32> to vector<16xf32>
      %parallel_loop3A_189 = arith.cmpf olt, %parallel_loop3A_188, %parallel_loop3A_134 : vector<16xf32>
      %parallel_loop3A_190 = arith.select %parallel_loop3A_189, %parallel_loop3A_188, %parallel_loop3A_134 : vector<16xi1>, vector<16xf32>
      %parallel_loop3A_191 = arith.select %parallel_loop3A_189, %parallel_loop3A_138, %parallel_loop3A_142 : vector<16xi1>, vector<16xi32>
      %parallel_loop3A_192 = arith.constant 64 : i32
      %parallel_loop3A_193 = vector.broadcast %parallel_loop3A_192 : i32 to vector<16xi32>
      %parallel_loop3A_194 = arith.addi %parallel_loop3A_138, %parallel_loop3A_193 : vector<16xi32>
      %parallel_loop3A_195 = arith.constant 4 : i32
      %parallel_loop3A_196 = arith.muli %parallel_loop3A_131, %parallel_loop3A_195 : i32
      %parallel_loop3A_197 = arith.constant 3 : i32
      %parallel_loop3A_198 = arith.addi %parallel_loop3A_196, %parallel_loop3A_197 : i32
      %parallel_loop3A_199 = arith.constant 16 : i32
      %parallel_loop3A_200 = arith.muli %parallel_loop3A_198, %parallel_loop3A_199 : i32
      %parallel_loop3A_201 = arith.constant 0 : i32
      %parallel_loop3A_202 = arith.addi %parallel_loop3A_201, %parallel_loop3A_200 : i32
      %parallel_loop3A_203 = arith.index_cast %parallel_loop3A_202 : i32 to index
      %parallel_loop3A_204 = tpu.vector_load %arg5[%parallel_loop3A_203] {strides = array<i32>} : memref<8192xf32, #tpu.memory_space<vmem>>, vector<16xf32>,
      %parallel_loop3A_205 = vector.shape_cast %parallel_loop3A_204 : vector<16xf32> to vector<16xf32>
      %parallel_loop3A_206 = arith.cmpf olt, %parallel_loop3A_205, %parallel_loop3A_135 : vector<16xf32>
      %parallel_loop3A_207 = arith.select %parallel_loop3A_206, %parallel_loop3A_205, %parallel_loop3A_135 : vector<16xi1>, vector<16xf32>
      %parallel_loop3A_208 = arith.select %parallel_loop3A_206, %parallel_loop3A_139, %parallel_loop3A_143 : vector<16xi1>, vector<16xi32>
      %parallel_loop3A_209 = arith.constant 64 : i32
      %parallel_loop3A_210 = vector.broadcast %parallel_loop3A_209 : i32 to vector<16xi32>
      %parallel_loop3A_211 = arith.addi %parallel_loop3A_139, %parallel_loop3A_210 : vector<16xi32>
      scf.yield %parallel_loop3A_156, %parallel_loop3A_173, %parallel_loop3A_190, %parallel_loop3A_207, %parallel_loop3A_160, %parallel_loop3A_177, %parallel_loop3A_194, %parallel_loop3A_211, %parallel_loop3A_157, %parallel_loop3A_174, %parallel_loop3A_191, %parallel_loop3A_208 : vector<16xf32>, vector<16xf32>, vector<16xf32>, vector<16xf32>, vector<16xi32>, vector<16xi32>, vector<16xi32>, vector<16xi32>, vector<16xi32>, vector<16xi32>, vector<16xi32>, vector<16xi32>
    } {sc.loop_unroll_factor = 2 : i64, sc.parallel_access}
    %dma_wait3A_70 = arith.constant 4096 : i32
    %dma_wait3A_71 = tpu.memref_slice %arg5[%dma_wait3A_70] : memref<8192xf32, #tpu.memory_space<vmem>> -> memref<4096xf32, #tpu.memory_space<vmem>>
    %dma_wait3A_72 = arith.constant 4096 : i32
    %dma_wait3A_73 = tpu.memref_slice %arg2[%arg1, %dma_wait3A_72] : memref<64x8192xf32, #tpu.memory_space<hbm>> -> memref<1x4096xf32, #tpu.memory_space<hbm>>
    %dma_wait3A_74 = tpu.memref_squeeze %dma_wait3A_73 : memref<1x4096xf32, #tpu.memory_space<hbm>> -> memref<4096xf32, #tpu.memory_space<hbm>>
    %dma_wait3A_75 = arith.constant 4096 : i32
    %dma_wait3A_76 = tpu.memref_slice %arg5[%dma_wait3A_75] : memref<8192xf32, #tpu.memory_space<vmem>> -> memref<4096xf32, #tpu.memory_space<vmem>>
    %dma_wait3A_77 = arith.constant 4096 : i32
    %dma_wait3A_78 = tpu.memref_slice %arg2[%arg1, %dma_wait3A_77] : memref<64x8192xf32, #tpu.memory_space<hbm>> -> memref<1x4096xf32, #tpu.memory_space<hbm>>
    %dma_wait3A_79 = tpu.memref_squeeze %dma_wait3A_78 : memref<1x4096xf32, #tpu.memory_space<hbm>> -> memref<4096xf32, #tpu.memory_space<hbm>>
    tpu.wait_dma2 semaphore(%arg9 : memref<!tpu.dma_semaphore, #tpu.memory_space<semaphore_mem>>) src(%dma_wait3A_79 : memref<4096xf32, #tpu.memory_space<hbm>>) dst(%dma_wait3A_76 : memref<4096xf32, #tpu.memory_space<vmem>>)
    %add3A_80 = arith.constant 4096 : i32
    %add3A_81 = arith.addi %mul3A_0, %add3A_80 : i32
    %add3A_82 = arith.constant 0 : i32
    %add3A_83 = arith.addi %add3A_81, %add3A_82 : i32
    %add3A_84 = vector.broadcast %add3A_83 : i32 to vector<16xi32>
    %add3A_85 = arith.addi %add3A_84, %iota3A : vector<16xi32>
    %add3A_86 = arith.constant 4096 : i32
    %add3A_87 = arith.addi %mul3A_0, %add3A_86 : i32
    %add3A_88 = arith.constant 16 : i32
    %add3A_89 = arith.addi %add3A_87, %add3A_88 : i32
    %add3A_90 = vector.broadcast %add3A_89 : i32 to vector<16xi32>
    %add3A_91 = arith.addi %add3A_90, %iota3A : vector<16xi32>
    %add3A_92 = arith.constant 4096 : i32
    %add3A_93 = arith.addi %mul3A_0, %add3A_92 : i32
    %add3A_94 = arith.constant 32 : i32
    %add3A_95 = arith.addi %add3A_93, %add3A_94 : i32
    %add3A_96 = vector.broadcast %add3A_95 : i32 to vector<16xi32>
    %add3A_97 = arith.addi %add3A_96, %iota3A : vector<16xi32>
    %add3A_98 = arith.constant 4096 : i32
    %add3A_99 = arith.addi %mul3A_0, %add3A_98 : i32
    %add3A_100 = arith.constant 48 : i32
    %add3A_101 = arith.addi %add3A_99, %add3A_100 : i32
    %add3A_102 = vector.broadcast %add3A_101 : i32 to vector<16xi32>
    %add3A_103 = arith.addi %add3A_102, %iota3A : vector<16xi32>
    %parallel_loop3A_104 = arith.constant 0 : i32
    %parallel_loop3A_105 = arith.constant 64 : i32
    %parallel_loop3A_106 = arith.constant 1 : i32
    %parallel_loop3A_107:12 = scf.for %parallel_loop3A_131 = %parallel_loop3A_104 to %parallel_loop3A_105 step %parallel_loop3A_106 iter_args(%parallel_loop3A_132 = %parallel_loop3A_69#0, %parallel_loop3A_133 = %parallel_loop3A_69#1, %parallel_loop3A_134 = %parallel_loop3A_69#2, %parallel_loop3A_135 = %parallel_loop3A_69#3, %parallel_loop3A_136 = %add3A_85, %parallel_loop3A_137 = %add3A_91, %parallel_loop3A_138 = %add3A_97, %parallel_loop3A_139 = %add3A_103, %parallel_loop3A_140 = %parallel_loop3A_69#8, %parallel_loop3A_141 = %parallel_loop3A_69#9, %parallel_loop3A_142 = %parallel_loop3A_69#10, %parallel_loop3A_143 = %parallel_loop3A_69#11) -> (vector<16xf32>, vector<16xf32>, vector<16xf32>, vector<16xf32>, vector<16xi32>, vector<16xi32>, vector<16xi32>, vector<16xi32>, vector<16xi32>, vector<16xi32>, vector<16xi32>, vector<16xi32>)  : i32 {
      %parallel_loop3A_144 = arith.constant 4 : i32
      %parallel_loop3A_145 = arith.muli %parallel_loop3A_131, %parallel_loop3A_144 : i32
      %parallel_loop3A_146 = arith.constant 0 : i32
      %parallel_loop3A_147 = arith.addi %parallel_loop3A_145, %parallel_loop3A_146 : i32
      %parallel_loop3A_148 = arith.constant 16 : i32
      %parallel_loop3A_149 = arith.muli %parallel_loop3A_147, %parallel_loop3A_148 : i32
      %parallel_loop3A_150 = arith.constant 4096 : i32
      %parallel_loop3A_151 = arith.addi %parallel_loop3A_150, %parallel_loop3A_149 : i32
      %parallel_loop3A_152 = arith.index_cast %parallel_loop3A_151 : i32 to index
      %parallel_loop3A_153 = tpu.vector_load %arg5[%parallel_loop3A_152] {strides = array<i32>} : memref<8192xf32, #tpu.memory_space<vmem>>, vector<16xf32>,
      %parallel_loop3A_154 = vector.shape_cast %parallel_loop3A_153 : vector<16xf32> to vector<16xf32>
      %parallel_loop3A_155 = arith.cmpf olt, %parallel_loop3A_154, %parallel_loop3A_132 : vector<16xf32>
      %parallel_loop3A_156 = arith.select %parallel_loop3A_155, %parallel_loop3A_154, %parallel_loop3A_132 : vector<16xi1>, vector<16xf32>
      %parallel_loop3A_157 = arith.select %parallel_loop3A_155, %parallel_loop3A_136, %parallel_loop3A_140 : vector<16xi1>, vector<16xi32>
      %parallel_loop3A_158 = arith.constant 64 : i32
      %parallel_loop3A_159 = vector.broadcast %parallel_loop3A_158 : i32 to vector<16xi32>
      %parallel_loop3A_160 = arith.addi %parallel_loop3A_136, %parallel_loop3A_159 : vector<16xi32>
      %parallel_loop3A_161 = arith.constant 4 : i32
      %parallel_loop3A_162 = arith.muli %parallel_loop3A_131, %parallel_loop3A_161 : i32
      %parallel_loop3A_163 = arith.constant 1 : i32
      %parallel_loop3A_164 = arith.addi %parallel_loop3A_162, %parallel_loop3A_163 : i32
      %parallel_loop3A_165 = arith.constant 16 : i32
      %parallel_loop3A_166 = arith.muli %parallel_loop3A_164, %parallel_loop3A_165 : i32
      %parallel_loop3A_167 = arith.constant 4096 : i32
      %parallel_loop3A_168 = arith.addi %parallel_loop3A_167, %parallel_loop3A_166 : i32
      %parallel_loop3A_169 = arith.index_cast %parallel_loop3A_168 : i32 to index
      %parallel_loop3A_170 = tpu.vector_load %arg5[%parallel_loop3A_169] {strides = array<i32>} : memref<8192xf32, #tpu.memory_space<vmem>>, vector<16xf32>,
      %parallel_loop3A_171 = vector.shape_cast %parallel_loop3A_170 : vector<16xf32> to vector<16xf32>
      %parallel_loop3A_172 = arith.cmpf olt, %parallel_loop3A_171, %parallel_loop3A_133 : vector<16xf32>
      %parallel_loop3A_173 = arith.select %parallel_loop3A_172, %parallel_loop3A_171, %parallel_loop3A_133 : vector<16xi1>, vector<16xf32>
      %parallel_loop3A_174 = arith.select %parallel_loop3A_172, %parallel_loop3A_137, %parallel_loop3A_141 : vector<16xi1>, vector<16xi32>
      %parallel_loop3A_175 = arith.constant 64 : i32
      %parallel_loop3A_176 = vector.broadcast %parallel_loop3A_175 : i32 to vector<16xi32>
      %parallel_loop3A_177 = arith.addi %parallel_loop3A_137, %parallel_loop3A_176 : vector<16xi32>
      %parallel_loop3A_178 = arith.constant 4 : i32
      %parallel_loop3A_179 = arith.muli %parallel_loop3A_131, %parallel_loop3A_178 : i32
      %parallel_loop3A_180 = arith.constant 2 : i32
      %parallel_loop3A_181 = arith.addi %parallel_loop3A_179, %parallel_loop3A_180 : i32
      %parallel_loop3A_182 = arith.constant 16 : i32
      %parallel_loop3A_183 = arith.muli %parallel_loop3A_181, %parallel_loop3A_182 : i32
      %parallel_loop3A_184 = arith.constant 4096 : i32
      %parallel_loop3A_185 = arith.addi %parallel_loop3A_184, %parallel_loop3A_183 : i32
      %parallel_loop3A_186 = arith.index_cast %parallel_loop3A_185 : i32 to index
      %parallel_loop3A_187 = tpu.vector_load %arg5[%parallel_loop3A_186] {strides = array<i32>} : memref<8192xf32, #tpu.memory_space<vmem>>, vector<16xf32>,
      %parallel_loop3A_188 = vector.shape_cast %parallel_loop3A_187 : vector<16xf32> to vector<16xf32>
      %parallel_loop3A_189 = arith.cmpf olt, %parallel_loop3A_188, %parallel_loop3A_134 : vector<16xf32>
      %parallel_loop3A_190 = arith.select %parallel_loop3A_189, %parallel_loop3A_188, %parallel_loop3A_134 : vector<16xi1>, vector<16xf32>
      %parallel_loop3A_191 = arith.select %parallel_loop3A_189, %parallel_loop3A_138, %parallel_loop3A_142 : vector<16xi1>, vector<16xi32>
      %parallel_loop3A_192 = arith.constant 64 : i32
      %parallel_loop3A_193 = vector.broadcast %parallel_loop3A_192 : i32 to vector<16xi32>
      %parallel_loop3A_194 = arith.addi %parallel_loop3A_138, %parallel_loop3A_193 : vector<16xi32>
      %parallel_loop3A_195 = arith.constant 4 : i32
      %parallel_loop3A_196 = arith.muli %parallel_loop3A_131, %parallel_loop3A_195 : i32
      %parallel_loop3A_197 = arith.constant 3 : i32
      %parallel_loop3A_198 = arith.addi %parallel_loop3A_196, %parallel_loop3A_197 : i32
      %parallel_loop3A_199 = arith.constant 16 : i32
      %parallel_loop3A_200 = arith.muli %parallel_loop3A_198, %parallel_loop3A_199 : i32
      %parallel_loop3A_201 = arith.constant 4096 : i32
      %parallel_loop3A_202 = arith.addi %parallel_loop3A_201, %parallel_loop3A_200 : i32
      %parallel_loop3A_203 = arith.index_cast %parallel_loop3A_202 : i32 to index
      %parallel_loop3A_204 = tpu.vector_load %arg5[%parallel_loop3A_203] {strides = array<i32>} : memref<8192xf32, #tpu.memory_space<vmem>>, vector<16xf32>,
      %parallel_loop3A_205 = vector.shape_cast %parallel_loop3A_204 : vector<16xf32> to vector<16xf32>
      %parallel_loop3A_206 = arith.cmpf olt, %parallel_loop3A_205, %parallel_loop3A_135 : vector<16xf32>
      %parallel_loop3A_207 = arith.select %parallel_loop3A_206, %parallel_loop3A_205, %parallel_loop3A_135 : vector<16xi1>, vector<16xf32>
      %parallel_loop3A_208 = arith.select %parallel_loop3A_206, %parallel_loop3A_139, %parallel_loop3A_143 : vector<16xi1>, vector<16xi32>
      %parallel_loop3A_209 = arith.constant 64 : i32
      %parallel_loop3A_210 = vector.broadcast %parallel_loop3A_209 : i32 to vector<16xi32>
      %parallel_loop3A_211 = arith.addi %parallel_loop3A_139, %parallel_loop3A_210 : vector<16xi32>
      scf.yield %parallel_loop3A_156, %parallel_loop3A_173, %parallel_loop3A_190, %parallel_loop3A_207, %parallel_loop3A_160, %parallel_loop3A_177, %parallel_loop3A_194, %parallel_loop3A_211, %parallel_loop3A_157, %parallel_loop3A_174, %parallel_loop3A_191, %parallel_loop3A_208 : vector<16xf32>, vector<16xf32>, vector<16xf32>, vector<16xf32>, vector<16xi32>, vector<16xi32>, vector<16xi32>, vector<16xi32>, vector<16xi32>, vector<16xi32>, vector<16xi32>, vector<16xi32>
    } {sc.loop_unroll_factor = 2 : i64, sc.parallel_access}
    %lt3A = arith.cmpf olt, %parallel_loop3A_107#1, %parallel_loop3A_107#0 : vector<16xf32>
    %eq3A = arith.cmpf oeq, %parallel_loop3A_107#1, %parallel_loop3A_107#0 : vector<16xf32>
    %lt3A_108 = arith.cmpi slt, %parallel_loop3A_107#9, %parallel_loop3A_107#8 : vector<16xi32>
    %and3A = arith.andi %eq3A, %lt3A_108 : vector<16xi1>
    %or3A = arith.ori %lt3A, %and3A : vector<16xi1>
    %select_n3A = arith.select %or3A, %parallel_loop3A_107#1, %parallel_loop3A_107#0 : vector<16xi1>, vector<16xf32>
    %select_n3A_109 = arith.select %or3A, %parallel_loop3A_107#9, %parallel_loop3A_107#8 : vector<16xi1>, vector<16xi32>
    %lt3A_110 = arith.cmpf olt, %parallel_loop3A_107#2, %select_n3A : vector<16xf32>
    %eq3A_111 = arith.cmpf oeq, %parallel_loop3A_107#2, %select_n3A : vector<16xf32>
    %lt3A_112 = arith.cmpi slt, %parallel_loop3A_107#10, %select_n3A_109 : vector<16xi32>
    %and3A_113 = arith.andi %eq3A_111, %lt3A_112 : vector<16xi1>
    %or3A_114 = arith.ori %lt3A_110, %and3A_113 : vector<16xi1>
    %select_n3A_115 = arith.select %or3A_114, %parallel_loop3A_107#2, %select_n3A : vector<16xi1>, vector<16xf32>
    %select_n3A_116 = arith.select %or3A_114, %parallel_loop3A_107#10, %select_n3A_109 : vector<16xi1>, vector<16xi32>
    %lt3A_117 = arith.cmpf olt, %parallel_loop3A_107#3, %select_n3A_115 : vector<16xf32>
    %eq3A_118 = arith.cmpf oeq, %parallel_loop3A_107#3, %select_n3A_115 : vector<16xf32>
    %lt3A_119 = arith.cmpi slt, %parallel_loop3A_107#11, %select_n3A_116 : vector<16xi32>
    %and3A_120 = arith.andi %eq3A_118, %lt3A_119 : vector<16xi1>
    %or3A_121 = arith.ori %lt3A_117, %and3A_120 : vector<16xi1>
    %select_n3A_122 = arith.select %or3A_121, %parallel_loop3A_107#3, %select_n3A_115 : vector<16xi1>, vector<16xf32>
    %select_n3A_123 = arith.select %or3A_121, %parallel_loop3A_107#11, %select_n3A_116 : vector<16xi1>, vector<16xi32>
    %swap3A = arith.constant 0 : index
    %swap3A_124 = tpu.vector_load %arg6[%swap3A] {strides = array<i32>} : memref<16xf32, #tpu.memory_space<vmem>>, vector<16xf32>,
    %swap3A_125 = vector.shape_cast %swap3A_124 : vector<16xf32> to vector<16xf32>
    %swap3A_126 = vector.shape_cast %select_n3A_122 : vector<16xf32> to vector<16xf32>
    tpu.vector_store %arg6[%swap3A], %swap3A_126 {strides = array<i32>} : memref<16xf32, #tpu.memory_space<vmem>>, vector<16xf32>,
    %swap3A_127 = arith.constant 0 : index
    %swap3A_128 = tpu.vector_load %arg7[%swap3A_127] {strides = array<i32>} : memref<16xi32, #tpu.memory_space<vmem>>, vector<16xi32>,
    %swap3A_129 = vector.shape_cast %swap3A_128 : vector<16xi32> to vector<16xi32>
    %swap3A_130 = vector.shape_cast %select_n3A_123 : vector<16xi32> to vector<16xi32>
    tpu.vector_store %arg7[%swap3A_127], %swap3A_130 {strides = array<i32>} : memref<16xi32, #tpu.memory_space<vmem>>, vector<16xi32>,
    "tpu.region"() ({
      %run_scoped3A = tpu.sem_alloc : memref<!tpu.dma_semaphore, #tpu.memory_space<semaphore_mem>>
      %dma_start3A_131 = arith.constant 0 : i32
      %dma_start3A_132 = tpu.memref_slice %arg3[%arg1, %dma_start3A_131] : memref<16x16xf32, #tpu.memory_space<hbm>> -> memref<1x16xf32, #tpu.memory_space<hbm>>
      %dma_start3A_133 = tpu.memref_squeeze %dma_start3A_132 : memref<1x16xf32, #tpu.memory_space<hbm>> -> memref<16xf32, #tpu.memory_space<hbm>>
      %dma_start3A_134 = arith.constant 0 : i32
      %dma_start3A_135 = tpu.memref_slice %arg3[%arg1, %dma_start3A_134] : memref<16x16xf32, #tpu.memory_space<hbm>> -> memref<1x16xf32, #tpu.memory_space<hbm>>
      %dma_start3A_136 = tpu.memref_squeeze %dma_start3A_135 : memref<1x16xf32, #tpu.memory_space<hbm>> -> memref<16xf32, #tpu.memory_space<hbm>>
      tpu.enqueue_dma source(%arg6 : memref<16xf32, #tpu.memory_space<vmem>>) target(%dma_start3A_136 : memref<16xf32, #tpu.memory_space<hbm>>) target_semaphore(%run_scoped3A : memref<!tpu.dma_semaphore, #tpu.memory_space<semaphore_mem>>)
      %dma_wait3A_137 = arith.constant 0 : i32
      %dma_wait3A_138 = tpu.memref_slice %arg3[%arg1, %dma_wait3A_137] : memref<16x16xf32, #tpu.memory_space<hbm>> -> memref<1x16xf32, #tpu.memory_space<hbm>>
      %dma_wait3A_139 = tpu.memref_squeeze %dma_wait3A_138 : memref<1x16xf32, #tpu.memory_space<hbm>> -> memref<16xf32, #tpu.memory_space<hbm>>
      %dma_wait3A_140 = arith.constant 0 : i32
      %dma_wait3A_141 = tpu.memref_slice %arg3[%arg1, %dma_wait3A_140] : memref<16x16xf32, #tpu.memory_space<hbm>> -> memref<1x16xf32, #tpu.memory_space<hbm>>
      %dma_wait3A_142 = tpu.memref_squeeze %dma_wait3A_141 : memref<1x16xf32, #tpu.memory_space<hbm>> -> memref<16xf32, #tpu.memory_space<hbm>>
      tpu.wait_dma2 semaphore(%run_scoped3A : memref<!tpu.dma_semaphore, #tpu.memory_space<semaphore_mem>>) src(%arg6 : memref<16xf32, #tpu.memory_space<vmem>>) dst(%dma_wait3A_142 : memref<16xf32, #tpu.memory_space<hbm>>)
      tpu.yield
    }) : () -> ()
    "tpu.region"() ({
      %run_scoped3A = tpu.sem_alloc : memref<!tpu.dma_semaphore, #tpu.memory_space<semaphore_mem>>
      %dma_start3A_131 = arith.constant 0 : i32
      %dma_start3A_132 = tpu.memref_slice %arg4[%arg1, %dma_start3A_131] : memref<16x16xi32, #tpu.memory_space<hbm>> -> memref<1x16xi32, #tpu.memory_space<hbm>>
      %dma_start3A_133 = tpu.memref_squeeze %dma_start3A_132 : memref<1x16xi32, #tpu.memory_space<hbm>> -> memref<16xi32, #tpu.memory_space<hbm>>
      %dma_start3A_134 = arith.constant 0 : i32
      %dma_start3A_135 = tpu.memref_slice %arg4[%arg1, %dma_start3A_134] : memref<16x16xi32, #tpu.memory_space<hbm>> -> memref<1x16xi32, #tpu.memory_space<hbm>>
      %dma_start3A_136 = tpu.memref_squeeze %dma_start3A_135 : memref<1x16xi32, #tpu.memory_space<hbm>> -> memref<16xi32, #tpu.memory_space<hbm>>
      tpu.enqueue_dma source(%arg7 : memref<16xi32, #tpu.memory_space<vmem>>) target(%dma_start3A_136 : memref<16xi32, #tpu.memory_space<hbm>>) target_semaphore(%run_scoped3A : memref<!tpu.dma_semaphore, #tpu.memory_space<semaphore_mem>>)
      %dma_wait3A_137 = arith.constant 0 : i32
      %dma_wait3A_138 = tpu.memref_slice %arg4[%arg1, %dma_wait3A_137] : memref<16x16xi32, #tpu.memory_space<hbm>> -> memref<1x16xi32, #tpu.memory_space<hbm>>
      %dma_wait3A_139 = tpu.memref_squeeze %dma_wait3A_138 : memref<1x16xi32, #tpu.memory_space<hbm>> -> memref<16xi32, #tpu.memory_space<hbm>>
      %dma_wait3A_140 = arith.constant 0 : i32
      %dma_wait3A_141 = tpu.memref_slice %arg4[%arg1, %dma_wait3A_140] : memref<16x16xi32, #tpu.memory_space<hbm>> -> memref<1x16xi32, #tpu.memory_space<hbm>>
      %dma_wait3A_142 = tpu.memref_squeeze %dma_wait3A_141 : memref<1x16xi32, #tpu.memory_space<hbm>> -> memref<16xi32, #tpu.memory_space<hbm>>
      tpu.wait_dma2 semaphore(%run_scoped3A : memref<!tpu.dma_semaphore, #tpu.memory_space<semaphore_mem>>) src(%arg7 : memref<16xi32, #tpu.memory_space<vmem>>) dst(%dma_wait3A_142 : memref<16xi32, #tpu.memory_space<hbm>>)
      tpu.yield
    }) : () -> ()
    return
  }
}

module attributes {stable_mosaic.version = 14 : i64} {
  func.func @_merge_body(%arg0: memref<16x16xf32, #tpu.memory_space<vmem>>, %arg1: memref<16x16xi32, #tpu.memory_space<vmem>>, %arg2: memref<1x128xf32, #tpu.memory_space<vmem>>, %arg3: memref<1x128xi32, #tpu.memory_space<vmem>>, %arg4: memref<1x1xi32, #tpu.memory_space<smem>>) attributes {dimension_semantics = [], scalar_prefetch = 0 : i64, scratch_operands = 0 : i64, tpu.core_type = #tpu.core_type<tc>} {
    %get3A = arith.constant 0 : index
    %get3A_0 = arith.constant 0 : index
    %get3A_1 = vector.load %arg0[%get3A, %get3A_0] : memref<16x16xf32, #tpu.memory_space<vmem>>, vector<16x16xf32>
    %get3A_2 = arith.constant 0 : index
    %get3A_3 = arith.constant 0 : index
    %get3A_4 = vector.load %arg1[%get3A_2, %get3A_3] : memref<16x16xi32, #tpu.memory_space<vmem>>, vector<16x16xi32>
    %get3A_5 = arith.constant 0 : index
    %get3A_6 = arith.constant 0 : index
    %get3A_7 = vector.load %arg2[%get3A_5, %get3A_6] : memref<1x128xf32, #tpu.memory_space<vmem>>, vector<1x128xf32>
    %get3A_8 = arith.constant 0 : index
    %get3A_9 = arith.constant 0 : index
    %get3A_10 = vector.load %arg3[%get3A_8, %get3A_9] : memref<1x128xi32, #tpu.memory_space<vmem>>, vector<1x128xi32>
    %reduce_min3A = vector.shape_cast %get3A_1 : vector<16x16xf32> to vector<1x16x16xf32>
    %reduce_min3A_11 = arith.constant dense<0x7F800000> : vector<1xf32>
    %reduce_min3A_12 = vector.multi_reduction <minimumf>, %reduce_min3A, %reduce_min3A_11 [1, 2] : vector<1x16x16xf32> to vector<1xf32>
    %reduce_min3A_13 = vector.shape_cast %reduce_min3A_12 : vector<1xf32> to vector<1x1x1xf32>
    %reduce_min3A_14 = vector.extract %reduce_min3A_13[0, 0, 0] : f32 from vector<1x1x1xf32>
    %reduce_min3A_15 = vector.shape_cast %get3A_7 : vector<1x128xf32> to vector<1x1x128xf32>
    %reduce_min3A_16 = arith.constant dense<0x7F800000> : vector<1xf32>
    %reduce_min3A_17 = vector.multi_reduction <minimumf>, %reduce_min3A_15, %reduce_min3A_16 [1, 2] : vector<1x1x128xf32> to vector<1xf32>
    %reduce_min3A_18 = vector.shape_cast %reduce_min3A_17 : vector<1xf32> to vector<1x1x1xf32>
    %reduce_min3A_19 = vector.extract %reduce_min3A_18[0, 0, 0] : f32 from vector<1x1x1xf32>
    %min3A = arith.minimumf %reduce_min3A_14, %reduce_min3A_19 : f32
    %eq3A = vector.broadcast %min3A : f32 to vector<16x16xf32>
    %eq3A_20 = arith.cmpf oeq, %get3A_1, %eq3A : vector<16x16xf32>
    %jit3A = arith.constant 2147483647 : i32
    %broadcast_in_dim3A = vector.broadcast %jit3A : i32 to vector<16x16xi32>
    %select_n3A = arith.select %eq3A_20, %get3A_4, %broadcast_in_dim3A : vector<16x16xi1>, vector<16x16xi32>
    %reduce_min3A_21 = vector.shape_cast %select_n3A : vector<16x16xi32> to vector<1x16x16xi32>
    %reduce_min3A_22 = arith.constant dense<2147483647> : vector<1xi32>
    %reduce_min3A_23 = vector.multi_reduction <minsi>, %reduce_min3A_21, %reduce_min3A_22 [1, 2] : vector<1x16x16xi32> to vector<1xi32>
    %reduce_min3A_24 = vector.shape_cast %reduce_min3A_23 : vector<1xi32> to vector<1x1x1xi32>
    %reduce_min3A_25 = vector.extract %reduce_min3A_24[0, 0, 0] : i32 from vector<1x1x1xi32>
    %eq3A_26 = vector.broadcast %min3A : f32 to vector<1x128xf32>
    %eq3A_27 = arith.cmpf oeq, %get3A_7, %eq3A_26 : vector<1x128xf32>
    %jit3A_28 = arith.constant 2147483647 : i32
    %broadcast_in_dim3A_29 = vector.broadcast %jit3A_28 : i32 to vector<1x128xi32>
    %select_n3A_30 = arith.select %eq3A_27, %get3A_10, %broadcast_in_dim3A_29 : vector<1x128xi1>, vector<1x128xi32>
    %reduce_min3A_31 = vector.shape_cast %select_n3A_30 : vector<1x128xi32> to vector<1x1x128xi32>
    %reduce_min3A_32 = arith.constant dense<2147483647> : vector<1xi32>
    %reduce_min3A_33 = vector.multi_reduction <minsi>, %reduce_min3A_31, %reduce_min3A_32 [1, 2] : vector<1x1x128xi32> to vector<1xi32>
    %reduce_min3A_34 = vector.shape_cast %reduce_min3A_33 : vector<1xi32> to vector<1x1x1xi32>
    %reduce_min3A_35 = vector.extract %reduce_min3A_34[0, 0, 0] : i32 from vector<1x1x1xi32>
    %min3A_36 = arith.minsi %reduce_min3A_25, %reduce_min3A_35 : i32
    %swap3A = arith.constant 0 : index
    %swap3A_37 = arith.constant 0 : index
    %swap3A_38 = memref.load %arg4[%swap3A, %swap3A_37] : memref<1x1xi32, #tpu.memory_space<smem>>
    memref.store %min3A_36, %arg4[%swap3A, %swap3A_37] : memref<1x1xi32, #tpu.memory_space<smem>>
    return
  }
}

module attributes {stable_mosaic.version = 14 : i64} {
  func.func @_tc_scan_body(%arg0: i32, %arg1: memref<8x8192xf32, #tpu.memory_space<vmem>>, %arg2: memref<1x128xf32, #tpu.memory_space<vmem>>, %arg3: memref<1x128xi32, #tpu.memory_space<vmem>>, %arg4: memref<1xf32, #tpu.memory_space<smem>>, %arg5: memref<1xi32, #tpu.memory_space<smem>>) attributes {dimension_semantics = [#tpu.dimension_semantics<arbitrary>], iteration_bounds = array<i64: 6>, scalar_prefetch = 0 : i64, scratch_operands = 2 : i64, tpu.core_type = #tpu.core_type<tc>, window_params = [{transform_indices = @transform_0, window_bounds = array<i64: 8, 8192>}, {pipeline_mode = #tpu.pipeline_mode<synchronous>, transform_indices = @transform_1, window_bounds = array<i64: 1, 128>}, {pipeline_mode = #tpu.pipeline_mode<synchronous>, transform_indices = @transform_2, window_bounds = array<i64: 1, 128>}]} {
    %get3A = arith.constant 0 : index
    %get3A_0 = arith.constant 0 : index
    %get3A_1 = vector.load %arg1[%get3A, %get3A_0] : memref<8x8192xf32, #tpu.memory_space<vmem>>, vector<8x8192xf32>
    %reduce_min3A = vector.shape_cast %get3A_1 : vector<8x8192xf32> to vector<1x8x8192xf32>
    %reduce_min3A_2 = arith.constant dense<0x7F800000> : vector<1xf32>
    %reduce_min3A_3 = vector.multi_reduction <minimumf>, %reduce_min3A, %reduce_min3A_2 [1, 2] : vector<1x8x8192xf32> to vector<1xf32>
    %reduce_min3A_4 = vector.shape_cast %reduce_min3A_3 : vector<1xf32> to vector<1x1x1xf32>
    %reduce_min3A_5 = vector.extract %reduce_min3A_4[0, 0, 0] : f32 from vector<1x1x1xf32>
    %iota3A = tpu.iota {dimensions = array<i32: 0>} : vector<8x8192xi32>
    %iota3A_6 = tpu.iota {dimensions = array<i32: 1>} : vector<8x8192xi32>
    %add3A = arith.constant 16 : i32
    %add3A_7 = vector.broadcast %add3A : i32 to vector<8x8192xi32>
    %add3A_8 = arith.addi %iota3A, %add3A_7 : vector<8x8192xi32>
    %mul3A = arith.constant 8 : i32
    %mul3A_9 = arith.muli %arg0, %mul3A : i32
    %add3A_10 = vector.broadcast %mul3A_9 : i32 to vector<8x8192xi32>
    %add3A_11 = arith.addi %add3A_8, %add3A_10 : vector<8x8192xi32>
    %mul3A_12 = arith.constant 8192 : i32
    %mul3A_13 = vector.broadcast %mul3A_12 : i32 to vector<8x8192xi32>
    %mul3A_14 = arith.muli %add3A_11, %mul3A_13 : vector<8x8192xi32>
    %add3A_15 = arith.addi %mul3A_14, %iota3A_6 : vector<8x8192xi32>
    %eq3A = vector.broadcast %reduce_min3A_5 : f32 to vector<8x8192xf32>
    %eq3A_16 = arith.cmpf oeq, %get3A_1, %eq3A : vector<8x8192xf32>
    %jit3A = arith.constant 2147483647 : i32
    %broadcast_in_dim3A = vector.broadcast %jit3A : i32 to vector<8x8192xi32>
    %select_n3A = arith.select %eq3A_16, %add3A_15, %broadcast_in_dim3A : vector<8x8192xi1>, vector<8x8192xi32>
    %reduce_min3A_17 = vector.shape_cast %select_n3A : vector<8x8192xi32> to vector<1x8x8192xi32>
    %reduce_min3A_18 = arith.constant dense<2147483647> : vector<1xi32>
    %reduce_min3A_19 = vector.multi_reduction <minsi>, %reduce_min3A_17, %reduce_min3A_18 [1, 2] : vector<1x8x8192xi32> to vector<1xi32>
    %reduce_min3A_20 = vector.shape_cast %reduce_min3A_19 : vector<1xi32> to vector<1x1x1xi32>
    %reduce_min3A_21 = vector.extract %reduce_min3A_20[0, 0, 0] : i32 from vector<1x1x1xi32>
    %eq3A_22 = arith.constant 0 : i32
    %eq3A_23 = arith.cmpi eq, %arg0, %eq3A_22 : i32
    %convert_element_type3A = arith.extui %eq3A_23 : i1 to i32
    %cond3A = arith.constant 0 : i32
    %cond3A_24 = arith.cmpi ne, %convert_element_type3A, %cond3A : i32
    scf.if %cond3A_24 {
      %swap3A_41 = arith.constant 0x7F800000 : f32
      %swap3A_42 = arith.constant 0 : index
      %swap3A_43 = memref.load %arg4[%swap3A_42] : memref<1xf32, #tpu.memory_space<smem>>
      memref.store %swap3A_41, %arg4[%swap3A_42] : memref<1xf32, #tpu.memory_space<smem>>
      %swap3A_44 = arith.constant 2147483647 : i32
      %swap3A_45 = arith.constant 0 : index
      %swap3A_46 = memref.load %arg5[%swap3A_45] : memref<1xi32, #tpu.memory_space<smem>>
      memref.store %swap3A_44, %arg5[%swap3A_45] : memref<1xi32, #tpu.memory_space<smem>>
    } else {
    }
    %get3A_25 = arith.constant 0 : index
    %get3A_26 = memref.load %arg4[%get3A_25] : memref<1xf32, #tpu.memory_space<smem>>
    %lt3A = arith.cmpf olt, %reduce_min3A_5, %get3A_26 : f32
    %get3A_27 = arith.constant 0 : index
    %get3A_28 = memref.load %arg4[%get3A_27] : memref<1xf32, #tpu.memory_space<smem>>
    %select_n3A_29 = arith.select %lt3A, %reduce_min3A_5, %get3A_28 : f32
    %swap3A = arith.constant 0 : index
    %swap3A_30 = memref.load %arg4[%swap3A] : memref<1xf32, #tpu.memory_space<smem>>
    memref.store %select_n3A_29, %arg4[%swap3A] : memref<1xf32, #tpu.memory_space<smem>>
    %get3A_31 = arith.constant 0 : index
    %get3A_32 = memref.load %arg5[%get3A_31] : memref<1xi32, #tpu.memory_space<smem>>
    %select_n3A_33 = arith.select %lt3A, %reduce_min3A_21, %get3A_32 : i32
    %swap3A_34 = arith.constant 0 : index
    %swap3A_35 = memref.load %arg5[%swap3A_34] : memref<1xi32, #tpu.memory_space<smem>>
    memref.store %select_n3A_33, %arg5[%swap3A_34] : memref<1xi32, #tpu.memory_space<smem>>
    %eq3A_36 = arith.constant 5 : i32
    %eq3A_37 = arith.cmpi eq, %arg0, %eq3A_36 : i32
    %convert_element_type3A_38 = arith.extui %eq3A_37 : i1 to i32
    %cond3A_39 = arith.constant 0 : i32
    %cond3A_40 = arith.cmpi ne, %convert_element_type3A_38, %cond3A_39 : i32
    scf.if %cond3A_40 {
      %get3A_41 = arith.constant 0 : index
      %get3A_42 = memref.load %arg4[%get3A_41] : memref<1xf32, #tpu.memory_space<smem>>
      %broadcast_in_dim3A_43 = vector.broadcast %get3A_42 : f32 to vector<1x128xf32>
      %swap3A_44 = arith.constant 0 : index
      %swap3A_45 = arith.constant 0 : index
      %swap3A_46 = vector.load %arg2[%swap3A_44, %swap3A_45] : memref<1x128xf32, #tpu.memory_space<vmem>>, vector<1x128xf32>
      tpu.vector_store %arg2[%swap3A_44, %swap3A_45], %broadcast_in_dim3A_43 {strides = array<i32>} : memref<1x128xf32, #tpu.memory_space<vmem>>, vector<1x128xf32>,
      %get3A_47 = arith.constant 0 : index
      %get3A_48 = memref.load %arg5[%get3A_47] : memref<1xi32, #tpu.memory_space<smem>>
      %broadcast_in_dim3A_49 = vector.broadcast %get3A_48 : i32 to vector<1x128xi32>
      %swap3A_50 = arith.constant 0 : index
      %swap3A_51 = arith.constant 0 : index
      %swap3A_52 = vector.load %arg3[%swap3A_50, %swap3A_51] : memref<1x128xi32, #tpu.memory_space<vmem>>, vector<1x128xi32>
      tpu.vector_store %arg3[%swap3A_50, %swap3A_51], %broadcast_in_dim3A_49 {strides = array<i32>} : memref<1x128xi32, #tpu.memory_space<vmem>>, vector<1x128xi32>,
    } else {
    }
    return
  }
  func.func @transform_0(%arg0: i32) -> (i32, i32) {
    %add3A = arith.constant 2 : i32
    %add3A_0 = arith.addi %arg0, %add3A : i32
    %c0_i32 = arith.constant 0 : i32
    %c0_i32_1 = arith.constant 0 : i32
    return %add3A_0, %c0_i32 : i32, i32
  }
  func.func @transform_1(%arg0: i32) -> (i32, i32) {
    %c0_i32 = arith.constant 0 : i32
    %c0_i32_0 = arith.constant 0 : i32
    %c0_i32_1 = arith.constant 0 : i32
    return %c0_i32, %c0_i32_0 : i32, i32
  }
  func.func @transform_2(%arg0: i32) -> (i32, i32) {
    %c0_i32 = arith.constant 0 : i32
    %c0_i32_0 = arith.constant 0 : i32
    %c0_i32_1 = arith.constant 0 : i32
    return %c0_i32, %c0_i32_0 : i32, i32
  }
}

</mosaic_0001>

<sc_bundles>
// kernel: kernel.5.cloned.1.call-start
scs
__scs_entry_jumppad:
0x0: {  	(pc) =	sbr.rel $0x88, $3  }
0x1: {  	(tag) =	ssettag $0x0;
	lr =	simm.s32 $0x1  }
0x2: {  	[smem:$0x3FA0] =	sst lr;
	_ =	strace $0xD0000000  }
0x3: {  	_ = 	snop  }
0x4: {  	_ = 	snop  }
0x5: {  	_ = 	snop  }
0x6: {  	_ = 	snop  }
0x7: {  	_ = 	snop  }
__scs_overlays_trampoline_lowered:
0x8: {  	[smem:$0x3FAF] =	sst s0  }
0x9: {  	[smem:$0x3FB0] =	sst s1  }
0xa: {  	[smem:$0x3FB1] =	sst s2  }
0xb: {  	[smem:$0x3FB2] =	sst s3  }
0xc: {  	[smem:$0x3FB3] =	sst s4  }
0xd: {  	[smem:$0x3FB4] =	sst s5  }
0xe: {  	[smem:$0x3FB5] =	sst s6  }
0xf: {  	[smem:$0x3FB6] =	sst s7  }
0x10: {  	[smem:$0x3FB7] =	sst s8  }
0x11: {  	[smem:$0x3FB8] =	sst s9;
	s0 =	simm.s32 @!p0 $0x0  }
0x12: {  	s1 =	sld [smem:$0x3F9E];
	s0 =	simm.s32 @p0 $0x1  }
0x13: {  	[smem:$0x3FB9] =	sst s0;
	s0 =	simm.s32 @!p1 $0x0  }
0x14: {  	s2 =	sld [smem:$0x3F9D];
	s0 =	simm.s32 @p1 $0x1  }
0x15: {  	[smem:$0x3FBA] =	sst s0;
	s0 =	simm.s32 @!p2 $0x0  }
0x16: {  	s3 =	sld [smem:$0x3FDB];
	s0 =	simm.s32 @p2 $0x1  }
0x17: {  	s4 =	simm.s32 $0x1BF5;
	[smem:$0x3FBC] =	sst s0  }
0x18: {  	s0 =	sld [smem:$0x3F9F];
	_ =	swait.ge [sflag:s4], $0x0  }
0x19: {  	s7 =	sld [smem:$0x3FA0]  }
0x1a: {  	s8 =	sadd.s32 $0xFFFFE003, lr  }
0x1b: {  	s9 =	sadd.s32 $0xFFFFFEF7, lr;
	s5 =	simm.s32 $0xFFFFFFFF;
	p2 =	slt.u32 s8, $0xFFFFF086  }
0x1c: {  	p1 =	slt.u32 s9, $0xF7A;
	s5 =	simm.s32 @!p2 $0x0  }
0x1d: {  	s5 =	simm.s32 @p1 $0x1;
	p0 =	seq.s32 s7, s2  }
0x1e: {  	s7 =	smul.u32 @!p0 $0xF7A, s2;
	p2 =	seq.s32 @!p0 s5, $0x0  }
0x1f: {  	s9 =	smul.u32 $0xF7A, s1;
	s8 =	simm.s32 @!p0 $0x1BF5;
	p2 =	por !p2, p0  }
0x20: {  	[sflag:s8] =	ssyncset.s32 @!p0 $0xFFFFF086;
	s6 =	sadd.s32 @!p0 s3, s7;
	s7 =	simm.s32 @!p0 $0x108  }
0x21: {  	s3 =	sadd.s32 s3, s9;
	s6 =	sadd.s32 @!p0 $0x88, s6;
	s7 =	simm.s32 @p2 $0x1082  }
0x22: {  	[simem:s7], [sflag:s8] =	dma.local @!p0 [hbm:s6], $0xF7A  }
0x23: {  	s9 =	sor.u32 $0xD0000000, s2;
	s6 =	simm.s32 $0x108;
	_ =	swait.ge @!p0 [sflag:s8], $0x0  }
0x24: {  	s3 =	sadd.s32 $0x88, s3;
	s6 =	simm.s32 @!p1 $0x1082;
	[sflag:s4] =	ssyncset.s32 $0xFFFFF086  }
0x25: {  	[simem:s6], [sflag:s4] =	dma.local [hbm:s3], $0xF7A  }
0x26: {  	[smem:$0x3FA0] =	sst s1;
	(tag) =	ssettag s2;
	_ =	strace s9  }
0x27: {  	s1 =	sld [smem:$0x3FB0]  }
0x28: {  	s2 =	sld [smem:$0x3FB1]  }
0x29: {  	s4 =	sld [smem:$0x3FB3]  }
0x2a: {  	p0 =	seq.s32 s5, $0x0;
	s5 =	sld [smem:$0x3FB4]  }
0x2b: {  	s6 =	sld [smem:$0x3FB5]  }
0x2c: {  	s7 =	sld [smem:$0x3FB6]  }
0x2d: {  	s3 =	simm.s32 $0x108;
	s8 =	sld [smem:$0x3FB7]  }
0x2e: {  	s3 =	simm.s32 @!p0 $0x1082;
	s9 =	sld [smem:$0x3FB8]  }
0x2f: {  	lr =	sadd.s32 s0, s3;
	s0 =	sld [smem:$0x3FAF]  }
0x30: {  	s3 =	sld [smem:$0x3FB2]  }
0x31: {  	[smem:$0x3FBB] =	sst s10  }
0x32: {  	s10 =	sld [smem:$0x3FB9];
	_ =	sdelay $0x3  }
0x33: {  	p0 =	seq.s32 s10, $0x1;
	s10 =	sld [smem:$0x3FBB];
	_ =	sdelay $0x3  }
0x34: {  	[smem:$0x3FBB] =	sst s10  }
0x35: {  	s10 =	sld [smem:$0x3FBA];
	_ =	sdelay $0x3  }
0x36: {  	p1 =	seq.s32 s10, $0x1;
	s10 =	sld [smem:$0x3FBB];
	_ =	sdelay $0x3  }
0x37: {  	[smem:$0x3FBB] =	sst s10  }
0x38: {  	s10 =	sld [smem:$0x3FBC]  }
0x39: {  	_ = 	snop;
	(pc) =	sbr.ind lr, $3  }
0x3a: {  	_ = 	snop  }
0x3b: {  	_ = 	snop  }
0x3c: {  	p2 =	seq.s32 s10, $0x1;
	s10 =	sld [smem:$0x3FBB]  }
0x3d: {  	_ =	shalt  }
0x3e: {  	_ =	shalt  }
0x3f: {  	_ =	shalt  }
0x40: {  	_ =	shalt  }
0x41: {  	_ =	shalt  }
0x42: {  	_ =	shalt  }
0x43: {  	_ =	shalt  }
0x44: {  	_ =	shalt  }
0x45: {  	_ =	shalt  }
0x46: {  	_ =	shalt  }
0x47: {  	_ =	shalt  }
0x48: {  	_ =	shalt  }
0x49: {  	_ =	shalt  }
0x4a: {  	_ =	shalt  }
0x4b: {  	_ =	shalt  }
0x4c: {  	_ =	shalt  }
0x4d: {  	_ =	shalt  }
0x4e: {  	_ =	shalt  }
0x4f: {  	_ =	shalt  }
0x50: {  	_ =	shalt  }
0x51: {  	_ =	shalt  }
0x52: {  	_ =	shalt  }
0x53: {  	_ =	shalt  }
0x54: {  	_ =	shalt  }
0x55: {  	_ =	shalt  }
0x56: {  	_ =	shalt  }
0x57: {  	_ =	shalt  }
0x58: {  	_ =	shalt  }
0x59: {  	_ =	shalt  }
0x5a: {  	_ =	shalt  }
0x5b: {  	_ =	shalt  }
0x5c: {  	_ =	shalt  }
0x5d: {  	_ =	shalt  }
0x5e: {  	_ =	shalt  }
0x5f: {  	_ =	shalt  }
0x60: {  	_ =	shalt  }
0x61: {  	_ =	shalt  }
0x62: {  	_ =	shalt  }
0x63: {  	_ =	shalt  }
0x64: {  	_ =	shalt  }
0x65: {  	_ =	shalt  }
0x66: {  	_ =	shalt  }
0x67: {  	_ =	shalt  }
0x68: {  	_ =	shalt  }
0x69: {  	_ =	shalt  }
0x6a: {  	_ =	shalt  }
0x6b: {  	_ =	shalt  }
0x6c: {  	_ =	shalt  }
0x6d: {  	_ =	shalt  }
0x6e: {  	_ =	shalt  }
0x6f: {  	_ =	shalt  }
0x70: {  	_ =	shalt  }
0x71: {  	_ =	shalt  }
0x72: {  	_ =	shalt  }
0x73: {  	_ =	shalt  }
0x74: {  	_ =	shalt  }
0x75: {  	_ =	shalt  }
0x76: {  	_ =	shalt  }
0x77: {  	_ =	shalt  }
0x78: {  	_ =	shalt  }
0x79: {  	_ =	shalt  }
0x7a: {  	_ =	shalt  }
0x7b: {  	_ =	shalt  }
0x7c: {  	_ =	shalt  }
0x7d: {  	_ =	shalt  }
0x7e: {  	_ =	shalt  }
0x7f: {  	_ =	shalt  }
0x80: {  	_ =	shalt  }
0x81: {  	_ =	shalt  }
0x82: {  	_ =	shalt  }
0x83: {  	_ =	shalt  }
0x84: {  	_ =	shalt  }
0x85: {  	_ =	shalt  }
0x86: {  	_ =	shalt  }
0x87: {  	_ =	shalt  }
.Lfunc_end0:
.L_simem_size_0:
called_computation_lowered:
.L_overlay_start_0:
0x88: {  	s0 =	sld [smem:$0x3FD9]  }
0x89: {  	s1 =	sld [smem:$0x3FFE];
	_ =	sdelay $0x3  }
0x8a: {  	s0 =	sadd.s32 s1, s0  }
0x8b: {  	[smem:$0x3FC7] =	sst s0  }
0x8c: {  	_ = 	snop  }
0x8d: {  	s0 =	sld [smem:$0x3FC9];
	(tm) =	ssettm $0x1  }
0x8e: {  	s16 =	sld [smem:$0x3FFB];
	_ =	sdelay $0x3  }
0x8f: {  	_ =	strace s16  }
0x90: {  	s1 =	sld [smem:$0x3FFC];
	_ =	sdelay $0x3  }
0x91: {  	_ =	strace s1  }
0x92: {  	s1 =	sld [smem:$0x3FFD];
	_ =	sdelay $0x3  }
0x93: {  	_ =	strace s1  }
0x94: {  	_ =	strace $0x8FFFFFFF  }
0x95: {  	s17 =	sld [smem:$0x3FDB];
	_ =	sdelay $0x1  }
0x96: {  	s2 =	simm.s32 $_scs_section_size  }
0x97: {  	s3 =	simm.s32 $_size__tile_overlayer_lowered;
	s4 =	simm.s32 $_tile_overlayer_lowered  }
0x98: {  	s20 =	simm.s32 $0x1BFF;
	s19 =	sshll.u32 s4, $0x1;
	s1 =	sadd.s32 s2, s17  }
0x99: {  	s5 =	simm.s32 $0x0;
	s18 =	sshll.u32 s3, $0x1;
	s3 =	sadd.s32 s19, s1  }
0x9a: {  	[timem:s5], [sflag:s20] =	dma.local [hbm:s3], s18  }
0x9b: {  	_ =	swait.ge [sflag:s20], s18  }
0x9c: {  	s2 =	ssub.s32 $0x0, s18;
	[sflag:s20] =	ssyncset.done $0x0  }
0x9d: {  	[sflag:s20] =	ssyncadd.s32 s2;
	_ =	sdelay $0x1  }
0x9e: {  	s21 =	simm.s32 $0x1B8B  }
0x9f: {  	_ =	swait.ge [sflag:s21], $0x1  }
0xa0: {  	[sflag:s21] =	ssyncset.done $0x0  }
0xa1: {  	s23 =	simm.s32 $0x1B8E;
	s22 =	sld [smem:$0x3FFE];
	[sflag:s21] =	ssyncadd.s32 $0xFFFFFFFF  }
0xa2: {  	s24 =	simm.s32 $execute0_lowered;
	[smem:$0x3FD2] =	sst s23  }
0xa3: {  	s3 =	sshll.u32 s24, $0x1;
	_ =	strace $0x80000046;
	[dreg:$0x1] =	wrdreg $0xFFFFFFFF  }
0xa4: {  	s25 =	simm.s32 $_size_execute0_lowered;
	s1 =	sadd.s32 s1, s3;
	[dreg:$0x0] =	wrdreg $0x0  }
0xa5: {  	s3 =	sshll.u32 s25, $0x1;
	[dreg:$0x2] =	wrdreg s1  }
0xa6: {  	[dreg:$0x3] =	wrdreg s3  }
0xa7: {  	[dreg:$0x4] =	wrdreg $0xC0  }
0xa8: {  	_ =	task [dreg:s5], $0x5FFFF  }
0xa9: {  	[dreg:$0x1] =	wrdreg $0xFFFFFFFF  }
0xaa: {  	[dreg:$0x0] =	wrdreg $0x60  }
0xab: {  	[dreg:$0x2] =	wrdreg s0  }
0xac: {  	[dreg:$0x3] =	wrdreg s22  }
0xad: {  	[dreg:$0x4] =	wrdreg $0x9  }
0xae: {  	_ =	task.clear_ibuf [dreg:s5], $0x5FFFF;
	_ =	strace $0x90000046  }
0xaf: {  	s26 =	simm.s32 $0x9;
	_ =	strace $0x80000048  }
0xb0: {  	_ =	swait.ge [sflag:s26], $0x1  }
0xb1: {  	[sflag:s26] =	ssyncadd.s32 $0xFFFFFFFF  }
0xb2: {  	_ =	strace $0x90000048  }
0xb3: {  	_ =	sfence  }
0xb4: {  	s28 =	sld [smem:$0x0];
	_ =	sdelay $0x1  }
0xb5: {  	s29 =	srdreg.scid  }
0xb6: {  	s30 =	sshll.u32 s29, $0xD;
	s31 =	sshrl.u32 s29, $0x2  }
0xb7: {  	s2 =	sand.u32 $0x4000, s30;
	s1 =	sand.u32 $0x1, s29;
	s0 =	sadd.s32 s31, s28  }
0xb8: {  	s1 =	sor.u32 s2, s1;
	s0 =	sshll.u32 s0, $0x11  }
0xb9: {  	s0 =	sor.u32 s0, s1  }
0xba: {  	s0 =	sadd.s32 $0x8F2B, s0  }
0xbb: {  	[sflag:s0] =	ssyncadd.remote.s32 $0x1  }
0xbc: {  	_ =	sfence.sel $0xFFFF  }
0xbd: {  	[dreg:$0x0] =	wrdreg $0xFFFFFFFF;
	(pc) =	sbr.abs _section_cstart, $3  }
0xbe: {  	[dreg:$0x1] =	wrdreg $0xFFFFFFFF  }
0xbf: {  	_ =	task.clear_ibuf [dreg:s5], $0x2FFFF;
	_ =	strace $0x9FFFFFFF  }
0xc0: {  	(tm) =	ssettm $0x7FFFFFFF  }
0xc1: {  	_ =	shalt  }
tec
execute0_lowered:
.L_overlay_start_1:
0x0: {  	(tag) =	ssettag $0x1  }
0x1: {  	s1 =	stileid.u32  }
0x2: {  	s4 =	rddreg [dreg:$0x0];
	s2 =	sshrl.u32 s1, $0x3;
	s3 =	sshll.u32 s1, $0x7  }
0x3: {  	s7 =	rddreg [dreg:$0x1];
	s3 =	sand.u32 $0x380, s3;
	s6 =	sshll.u32 s2, $0x10  }
0x4: {  	s0 =	rddreg [dreg:$0x2];
	s5 =	simm.s32 $0x0;
	s6 =	sor.u32 s3, s6  }
0x5: {  	s23 =	simm.s32 $0x80;
	[smem:$0x7FF] =	sst s5;
	s6 =	sshrl.u32 s6, $0x3  }
0x6: {  	s8 =	simm.s32 $0x400;
	_ =	strace $0x80000047;
	s4 =	sadd.s32 s4, s6  }
0x7: {  	[tilespmem:s5], [sflag:$0x1] =	stream.strided.gather [hbm4b:s4+s23], $0x1000, s8, s23, $0x38;
	[tilespmem:$0x2100] =	vst v63  }
0x8: {  	s24 =	simm.s32 $0x1000;
	s25 =	simm.s32 $0x1;
	s4 =	sadd.s32 $0x1000, s4  }
0x9: {  	[tilespmem:s24], [sflag:$0x2] =	stream.strided.gather [hbm4b:s4+s23], $0x1000, s8, s23, $0x38;
	[tilespmem:$0x2100] =	vst v63  }
0xa: {  	_ =	swait.ge [sflag:s25], $0x1000  }
0xb: {  	[sflag:s25] =	ssyncset.done $0x0  }
0xc: {  	s26 =	simm.s32 $0x0;
	[sflag:s25] =	ssyncadd.s32 $0xFFFFF000  }
0xd: {  	v1 =	vld [tilespmem:s26+$0x0]  }
0xe: {  	v5 =	vld [tilespmem:s26+$0x10]  }
0xf: {  	v6 =	vld [tilespmem:s26+$0x20]  }
0x10: {  	v7 =	vld [tilespmem:s26+$0x30]  }
0x11: {  	v0 =	vlaneseq.u32;
	s31 =	simm.s32 $0x40;
	s6 =	sshll.u32 s1, $0xD  }
0x12: {  	v8 =	vimm.f32 $+Inf;
	v17 =	vimm.s32 $0x0;
	s28 =	sor.u32 $0x10, s6;
	v4 =	vor.u32 s6, v0;
	s29 =	sor.u32 $0x20, s6;
	s30 =	sor.u32 $0x30, s6  }
0x13: {  	v3 =	vor.u32 s28, v0;
	v2 =	vor.u32 s29, v0;
	v0 =	vor.u32 s30, v0;
	v16 =	vld [tilespmem:s31+$0x0]  }
0x14: {  	v9 =	vld [tilespmem:s31+$0x10];
	vm0 =	vlt.f32 v1, v8;
	vm15 =	vlt.f32 v5, v8;
	vm1 =	vlt.f32 v6, v8  }
0x15: {  	v10 =	vld [tilespmem:s31+$0x20];
	vm2 =	vlt.f32 v7, v8;
	v15 =	vsel vm0, v1, v8;
	v12 =	vsel vm0, v4, v17  }
0x16: {  	v13 =	vld [tilespmem:s31+$0x30];
	v14 =	vsel vm15, v5, v8;
	v11 =	vsel vm1, v6, v8;
	v6 =	vsel vm2, v7, v8  }
0x17: {  	s5 =	sadd.s32 $0x1000, s7;
	s4 =	sadd.s32 $0x1200, s7;
	s7 =	simm.s32 $0x200;
	v7 =	vsel vm15, v3, v17;
	v8 =	vsel vm1, v2, v17;
	v5 =	vsel vm2, v0, v17  }
.LBB2_1:
0x18: {  	s8 =	sshra.s32 s7, $0x2;
	v4 =	vadd.s32 $0x40, v4;
	v18 =	vmov v16;
	p0 =	sne.s32 s7, $0x3F00  }
.Ltmp0:
0x19: {  	v3 =	vadd.s32 $0x40, v3;
	v2 =	vadd.s32 $0x40, v2;
	v16 =	vld [tilespmem:s8+$0x0];
	vm0 =	vlt.f32 v18, v15;
	v17 =	vmovc v9;
	(pc) =	sbr.rel @p0 .LBB2_1-.Ltmp0, $4  }
0x1a: {  	v0 =	vadd.s32 $0x40, v0;
	v9 =	vld [tilespmem:s8+$0x10];
	v15 =	vsel vm0, v18, v15;
	v12 =	vsel vm0, v4, v12;
	v1 =	vmovc v10  }
0x1b: {  	s7 =	sadd.s32 $0x100, s7;
	vm0 =	vlt.f32 v17, v14;
	v10 =	vld [tilespmem:s8+$0x20];
	vm1 =	vlt.f32 v1, v11;
	vm2 =	vlt.f32 v13, v6  }
0x1c: {  	v14 =	vsel vm0, v17, v14;
	v11 =	vsel vm1, v1, v11;
	v6 =	vsel vm2, v13, v6;
	v13 =	vld [tilespmem:s8+$0x30]  }
0x1d: {  	v7 =	vsel vm0, v3, v7;
	v8 =	vsel vm1, v2, v8;
	v5 =	vsel vm2, v0, v5  }
0x1e: {  	s7 =	simm.s32 $0x2  }
0x1f: {  	_ =	swait.ge [sflag:s7], $0x1000  }
0x20: {  	s8 =	simm.s32 $0x0;
	[sflag:s7] =	ssyncset.done $0x0  }
0x21: {  	s24 =	sand.u32 $0xFC0, s8;
	[sflag:s7] =	ssyncadd.s32 $0xFFFFF000  }
0x22: {  	vm0 =	vlt.f32 v16, v15;
	v17 =	vlaneseq.u32;
	s26 =	simm.s32 $0x1030;
	v18 =	vld [tilespmem:s24+$0x1000]  }
0x23: {  	s25 =	sor.u32 $0x1000, s6;
	v4 =	vadd.s32 $0x40, v4;
	v19 =	vadd.s32 $0x40, v3;
	v15 =	vsel vm0, v16, v15;
	v16 =	vld [tilespmem:s26+$0xFFFFFFE0]  }
0x24: {  	s28 =	sor.u32 $0x1010, s6;
	v0 =	vadd.s32 $0x40, v0;
	v1 =	vor.u32 s25, v17;
	v3 =	vsel vm0, v4, v12;
	v20 =	vld [tilespmem:s26+$0xFFFFFFF0]  }
0x25: {  	s29 =	sor.u32 $0x1020, s6;
	vm0 =	vlt.f32 v9, v14;
	v12 =	vadd.s32 $0x40, v2;
	v4 =	vor.u32 s28, v17;
	v21 =	vld [tilespmem:s26+$0x0]  }
0x26: {  	s30 =	simm.s32 $0x40;
	v2 =	vor.u32 s29, v17;
	vm1 =	vlt.f32 v10, v11;
	v9 =	vsel vm0, v9, v14  }
0x27: {  	v7 =	vsel vm0, v19, v7;
	vm2 =	vlt.f32 v13, v6;
	v10 =	vsel vm1, v10, v11;
	s7 =	sand.u32 $0xFC0, s30  }
0x28: {  	s31 =	sor.u32 $0x1030, s6;
	s6 =	simm.s32 $0x1070;
	v63 =	vsel vm1, v12, v8;
	v6 =	vsel vm2, v13, v6;
	v22 =	vsel vm2, v0, v5;
	v11 =	vld [tilespmem:s7+$0x1000]  }
0x29: {  	v0 =	vor.u32 s31, v17;
	v13 =	vld [tilespmem:s6+$0xFFFFFFE0];
	vm0 =	vlt.f32 v18, v15;
	vm1 =	vlt.f32 v16, v9  }
0x2a: {  	v8 =	vld [tilespmem:s6+$0xFFFFFFF0];
	vm2 =	vlt.f32 v20, v10;
	vm3 =	vlt.f32 v21, v6;
	v12 =	vsel vm0, v18, v15  }
0x2b: {  	v14 =	vsel vm1, v16, v9;
	v9 =	vsel vm2, v20, v10;
	v5 =	vsel vm3, v21, v6;
	v6 =	vld [tilespmem:s6+$0x0]  }
0x2c: {  	s7 =	simm.s32 $0x80;
	v15 =	vsel vm1, v4, v7;
	v10 =	vsel vm2, v2, v63;
	v7 =	vsel vm3, v0, v22  }
.LBB2_3:
0x2d: {  	s8 =	sand.u32 $0xFC0, s7;
	v3 =	vsel vm0, v1, v3;
	v18 =	vmov v11;
	p0 =	sne.s32 s7, $0xFC0  }
.Ltmp1:
0x2e: {  	s6 =	sadd.s32 $0x40, s6;
	v1 =	vadd.s32 $0x40, v1;
	v4 =	vadd.s32 $0x40, v4;
	v11 =	vld [tilespmem:s8+$0x1000];
	vm0 =	vlt.f32 v18, v12;
	v17 =	vmovc v13;
	(pc) =	sbr.rel @p0 .LBB2_3-.Ltmp1, $4  }
0x2f: {  	v2 =	vadd.s32 $0x40, v2;
	v0 =	vadd.s32 $0x40, v0;
	v13 =	vld [tilespmem:s6+$0xFFFFFFE0];
	v12 =	vsel vm0, v18, v12;
	v16 =	vmovc v8  }
0x30: {  	s7 =	sadd.s32 $0x40, s7;
	vm1 =	vlt.f32 v17, v14;
	v8 =	vld [tilespmem:s6+$0xFFFFFFF0];
	vm2 =	vlt.f32 v16, v9;
	vm3 =	vlt.f32 v6, v5  }
0x31: {  	v14 =	vsel vm1, v17, v14;
	v9 =	vsel vm2, v16, v9;
	v5 =	vsel vm3, v6, v5;
	v6 =	vld [tilespmem:s6+$0x0]  }
0x32: {  	v15 =	vsel vm1, v4, v15;
	v10 =	vsel vm2, v2, v10;
	v7 =	vsel vm3, v0, v7  }
0x33: {  	v3 =	vsel vm0, v1, v3;
	vm7 =	vlt.f32 v11, v12;
	v58 =	vadd.s32 $0x40, v1  }
0x34: {  	v4 =	vadd.s32 $0x40, v4;
	v11 =	vsel vm7, v11, v12;
	vm1 =	vlt.f32 v13, v14  }
0x35: {  	v1 =	vsel vm7, v58, v3;
	v59 =	vsel vm1, v13, v14;
	v4 =	vsel vm1, v4, v15  }
0x36: {  	vm8 =	veq.f32 v59, v11;
	vm1 =	vlt.s32 v4, v1  }
0x37: {  	vm2 =	vlt.f32 v8, v9;
	vm3 =	vlt.f32 v59, v11;
	vm0 =	vmand vm8, vm1  }
0x38: {  	v2 =	vadd.s32 $0x40, v2;
	v60 =	vsel vm2, v8, v9;
	vm0 =	vmor vm3, vm0  }
0x39: {  	v2 =	vsel vm2, v2, v10;
	v61 =	vsel vm0, v59, v11;
	v1 =	vsel vm0, v4, v1  }
0x3a: {  	vm9 =	veq.f32 v60, v61;
	vm10 =	vlt.s32 v2, v1  }
0x3b: {  	vm11 =	vlt.f32 v6, v5;
	vm12 =	vlt.f32 v60, v61;
	vm0 =	vmand vm9, vm10  }
0x3c: {  	v0 =	vadd.s32 $0x40, v0;
	v62 =	vsel vm11, v6, v5;
	vm0 =	vmor vm12, vm0  }
0x3d: {  	v0 =	vsel vm11, v0, v7;
	v3 =	vsel vm0, v60, v61;
	v1 =	vsel vm0, v2, v1  }
0x3e: {  	vm13 =	veq.f32 v62, v3;
	vm14 =	vlt.s32 v0, v1  }
0x3f: {  	vm15 =	vlt.f32 v62, v3;
	vm0 =	vmand vm13, vm14  }
0x40: {  	s2 =	sshll.u32 s2, $0xA;
	vm0 =	vmor vm15, vm0  }
0x41: {  	s2 =	sor.u32 s3, s2;
	v63 =	vsel vm0, v62, v3  }
0x42: {  	s29 =	simm.s32 $0x0;
	s2 =	sshrl.u32 s2, $0x3;
	v0 =	vsel vm0, v0, v1;
	[tilespmem:$0x2000] =	vst v63  }
0x43: {  	s6 =	simm.s32 $0x2000;
	s30 =	simm.s32 $0x3;
	s28 =	sadd.s32 s5, s2;
	[tilespmem:$0x2080] =	vst v0  }
0x44: {  	[hbm4b:s28+s29] =	stream.linear.scatter [tilespmem:s6], [sflag:$0x3], $0x80, $0x38;
	[tilespmem:$0x2100] =	vst v63  }
0x45: {  	_ =	swait.ge [sflag:s30], $0x80  }
0x46: {  	[sflag:s30] =	ssyncset.done $0x0  }
0x47: {  	s31 =	simm.s32 $0x2080;
	s2 =	sadd.s32 s4, s2;
	[sflag:s30] =	ssyncadd.s32 $0xFFFFFF80  }
0x48: {  	[hbm4b:s2+s29] =	stream.linear.scatter [tilespmem:s31], [sflag:$0x3], $0x80, $0x38;
	[tilespmem:$0x2100] =	vst v63  }
0x49: {  	_ =	swait.ge [sflag:s30], $0x80  }
0x4a: {  	[sflag:s30] =	ssyncset.done $0x0  }
0x4b: {  	[sflag:s30] =	ssyncadd.s32 $0xFFFFFF80  }
0x4c: {  	_ =	sfence.sel $0x180000  }
0x4d: {  	[bflag:$0x0] =	sbarrier.arrive $0xFFFF  }
0x4e: {  	p0 =	sne.s32 s1, $0x0;
	_ =	strace $0x90000047  }
0x4f: {  	s0 =	sadd.s32 @!p0 $0x100000, s0;
	[bflag:$0x2] =	sbarrier.arrive $0xFFFF  }
0x50: {  	[sflag:s0] =	ssyncadd.tile.s32 @!p0 $0x1;
	_ =	shalt  }
.Lfunc_end2:
_tile_overlayer_lowered:
.L_overlay_start_2:
0x51: {  	(tag) =	ssettag $0x2  }
0x52: {  	s0 =	rddreg [dreg:$0x0];
	s2 =	stileid.u32  }
0x53: {  	s1 =	rddreg [dreg:$0x1];
	p0 =	sne.s32 s2, $0x0  }
0x54: {  	s3 =	rddreg [dreg:$0x2];
	[bflag:$0x3] =	sbarrier.arrive $0xFFFF;
	s2 =	simm.s32 @!p0 $0x1C03  }
0x55: {  	[timem:s3], [sflag:s2] =	dma.local @!p0 [hbm:s0], s1  }
0x56: {  	s0 =	simm.s32 @!p0 $0x3  }
0x57: {  	_ =	swait.ge @!p0 [sflag:s0], s1  }
0x58: {  	s1 =	ssub.s32 @!p0 $0x0, s1;
	[sflag:s0] =	ssyncset.done @!p0 $0x0  }
0x59: {  	[sflag:s0] =	ssyncadd.s32 @!p0 s1  }
0x5a: {  	[bflag:$0x3] =	sbarrier.arrive $0xFFFF  }
0x5b: {  	_ =	shalt  }

</sc_bundles>
